<compile_context>
chip_gen: v7x
topology: tpu7x:2x2x1
jax: 0.10.2.dev20260603
libtpu: 0.0.44.dev20260713+nightly
codegen_flags: <defaults>
</compile_context>

<pallas_src>
import functools

import jax
import jax.numpy as jnp
from jax import lax
from jax.experimental import pallas as pl
from jax.experimental.pallas import tpu as pltpu
from jax.experimental.pallas import tpu_sc as plsc

IN_F = 2048
OUT_F = 2048
NCONN = 16

NUM_CORES = 2
NUM_SUBCORES = 16
NW = NUM_CORES * NUM_SUBCORES
ROWS_PER_W = OUT_F // NW
SUB = 2
NCHUNK = ROWS_PER_W // SUB
NBUF = 2


def _build_mt(conn_i32, weight, zeros_blk):
    mesh = plsc.VectorSubcoreMesh(core_axis_name="c", subcore_axis_name="s")

    @functools.partial(
        pl.kernel,
        mesh=mesh,
        out_type=jax.ShapeDtypeStruct((OUT_F, IN_F), jnp.float32),
        scratch_types=(
            [pltpu.VMEM((SUB, IN_F), jnp.float32) for _ in range(NBUF)]
            + [pltpu.VMEM((ROWS_PER_W * NCONN,), jnp.int32),
               pltpu.VMEM((ROWS_PER_W, NCONN), jnp.float32)]
            + [pltpu.SemaphoreType.DMA for _ in range(2 * NBUF)]
        ),
        compiler_params=pltpu.CompilerParams(needs_layout_passes=False),
    )
    def k(conn_hbm, w_hbm, z_hbm, mt_hbm, *refs):
        blks = refs[:NBUF]
        idx_v, wv = refs[NBUF], refs[NBUF + 1]
        sems = refs[NBUF + 2:NBUF + 2 + NBUF]
        zsems = refs[NBUF + 2 + NBUF:]
        wid = lax.axis_index("s") * NUM_CORES + lax.axis_index("c")
        base = wid * ROWS_PER_W
        zc = [pltpu.async_copy(z_hbm, blks[b], zsems[b])
              for b in range(NBUF)]
        pltpu.sync_copy(conn_hbm.at[pl.ds(base * NCONN, ROWS_PER_W * NCONN)],
                        idx_v)
        pltpu.sync_copy(w_hbm.at[pl.ds(base, ROWS_PER_W)], wv)
        for h in zc:
            h.wait()
        zvec = jnp.zeros((NCONN,), jnp.float32)

        def _chunk(g, _):
            for b in range(NBUF):
                c = g * NBUF + b
                blk = blks[b]

                @pl.when(g > 0)
                def _wait_and_restore(blk=blk, c=c, b=b):
                    pltpu.make_async_copy(
                        blk, mt_hbm.at[pl.ds(base + (c - NBUF) * SUB, SUB)],
                        sems[b]).wait()

                    def _restore(r, _):
                        o = ((c - NBUF) * SUB + r) * NCONN
                        rvec = jnp.full((NCONN,), r, jnp.int32)
                        plsc.store_scatter(blk,
                                           [rvec, idx_v[pl.ds(o, NCONN)]],
                                           zvec)
                        return _

                    lax.fori_loop(0, SUB, _restore, None, unroll=SUB)

                def _scatter(r, _, blk=blk, c=c):
                    o = (c * SUB + r) * NCONN
                    idx = idx_v[pl.ds(o, NCONN)]
                    w = wv[c * SUB + r]
                    rvec = jnp.full((NCONN,), r, jnp.int32)
                    plsc.addupdate_scatter(blk, [rvec, idx], w)
                    return _

                lax.fori_loop(0, SUB, _scatter, None, unroll=SUB)
                pltpu.async_copy(
                    blk, mt_hbm.at[pl.ds(base + c * SUB, SUB)], sems[b])
            return _

        lax.fori_loop(0, NCHUNK // NBUF, _chunk, None)
        for b in range(NBUF):
            c_last = NCHUNK - NBUF + b
            pltpu.make_async_copy(
                blks[b], mt_hbm.at[pl.ds(base + c_last * SUB, SUB)],
                sems[b]).wait()

    return k(conn_i32, weight, zeros_blk)


def _matmul(x2d, mt, bias):
    A_BLK = 256

    def body(x_ref, mt_ref, b_ref, o_ref):
        acc = lax.dot_general(
            x_ref[...], mt_ref[...],
            (((1,), (1,)), ((), ())),
            preferred_element_type=jnp.float32,
        )
        o_ref[...] = (acc + b_ref[...])[None]

    return pl.pallas_call(
        body,
        grid=(OUT_F // A_BLK,),
        in_specs=[
            pl.BlockSpec((2048, IN_F), lambda i: (0, 0)),
            pl.BlockSpec((A_BLK, IN_F), lambda i: (i, 0)),
            pl.BlockSpec((A_BLK,), lambda i: (i,)),
        ],
        out_specs=pl.BlockSpec((1, 2048, A_BLK), lambda i: (0, 0, i)),
        out_shape=jax.ShapeDtypeStruct((1, 2048, OUT_F), jnp.float32),
    )(x2d, mt, bias)


def kernel(x, conn, weight, bias_param):
    conn_i = conn.astype(jnp.int32)
    zeros_blk = jnp.zeros((SUB, IN_F), jnp.float32)
    mt = _build_mt(conn_i, weight, zeros_blk)
    return _matmul(x[0], mt, bias_param)

# --- scband reference (transcript-rebuilt; emitter-appended) ---
"""Pipeline reference for scband-eqs-linear-23029614641262 (READ-ONLY COPY).

The authoritative reference and input builder live on the scoring server;
editing this copy changes nothing except your own understanding.
"""

import jax, jax.numpy as jnp
import numpy as np

IN_FEATURES = 2048
OUT_FEATURES = 2048
NUM_CONN = 16

def setup_inputs(seed: int = 0) -> dict:
    key = jax.random.key(seed)
    k_x, k_conn, k_w = jax.random.split(key, 3)
    x = jax.random.normal(k_x, (1, 2048, IN_FEATURES), dtype=jnp.float32)
    # conn: random connectivity indices, one row of NUM_CONN input indices per output feature,
    # flattened to [OUT_FEATURES * NUM_CONN] as used by index_select(-1, conn)
    conn = jax.random.randint(k_conn, (OUT_FEATURES * NUM_CONN,), 0, IN_FEATURES, dtype=jnp.int64)
    bound = 1.0 / np.sqrt(NUM_CONN)
    weight = jax.random.uniform(k_w, (OUT_FEATURES, NUM_CONN), dtype=jnp.float32, minval=-bound, maxval=bound)
    bias_param = jnp.zeros((OUT_FEATURES,), dtype=jnp.float32)
    return {"x": x, "conn": conn, "weight": weight, "bias_param": bias_param}

def reference(x, conn, weight, bias_param):
    # torch: x.index_select(-1, conn).view(*x.size()[:-1], out_features, num_conn)
    gathered = jnp.take(x, conn, axis=-1)
    gathered = gathered.reshape(*x.shape[:-1], OUT_FEATURES, NUM_CONN)
    out = jnp.einsum('...ab,ab->...a', gathered, weight)
    out = out + bias_param
    return out

if __name__ == "__main__":
    import jax
    _d = setup_inputs()
    print(jax.jit(kernel)(*tuple(_d.values())))

</pallas_src>

<mosaic_0001>
#map = affine_map<(d0, d1) -> (0)>
#map1 = affine_map<(d0, d1) -> (0, 0)>
module attributes {stable_mosaic.version = 14 : i64} {
  func.func @k(%arg0: i32, %arg1: i32, %arg2: memref<32768xi32, #tpu.memory_space<hbm>>, %arg3: memref<2048x16xf32, #tpu.memory_space<hbm>>, %arg4: memref<2x2048xf32, #tpu.memory_space<hbm>>, %arg5: memref<2048x2048xf32, #tpu.memory_space<hbm>>, %arg6: memref<2x2048xf32, #tpu.memory_space<vmem>>, %arg7: memref<2x2048xf32, #tpu.memory_space<vmem>>, %arg8: memref<1024xi32, #tpu.memory_space<vmem>>, %arg9: memref<64x16xf32, #tpu.memory_space<vmem>>, %arg10: memref<!tpu.dma_semaphore, #tpu.memory_space<semaphore_mem>>, %arg11: memref<!tpu.dma_semaphore, #tpu.memory_space<semaphore_mem>>, %arg12: memref<!tpu.dma_semaphore, #tpu.memory_space<semaphore_mem>>, %arg13: memref<!tpu.dma_semaphore, #tpu.memory_space<semaphore_mem>>) attributes {dimension_semantics = [#tpu.dimension_semantics<core_parallel>, #tpu.dimension_semantics<subcore_parallel>], iteration_bounds = array<i64: 2, 16>, scalar_prefetch = 0 : i64, scratch_operands = 8 : i64, tpu.core_type = #tpu.core_type<sc_vector_subcore>, window_params = [{transform_indices = #map}, {transform_indices = #map1}, {transform_indices = #map1}, {transform_indices = #map1}]} {
    %mul3A = arith.constant 2 : i32
    %mul3A_0 = arith.muli %arg1, %mul3A : i32
    %add3A = arith.addi %mul3A_0, %arg0 : i32
    %mul3A_1 = arith.constant 64 : i32
    %mul3A_2 = arith.muli %add3A, %mul3A_1 : i32
    tpu.enqueue_dma source(%arg4 : memref<2x2048xf32, #tpu.memory_space<hbm>>) target(%arg6 : memref<2x2048xf32, #tpu.memory_space<vmem>>) target_semaphore(%arg12 : memref<!tpu.dma_semaphore, #tpu.memory_space<semaphore_mem>>)
    tpu.enqueue_dma source(%arg4 : memref<2x2048xf32, #tpu.memory_space<hbm>>) target(%arg7 : memref<2x2048xf32, #tpu.memory_space<vmem>>) target_semaphore(%arg13 : memref<!tpu.dma_semaphore, #tpu.memory_space<semaphore_mem>>)
    %mul3A_3 = arith.constant 16 : i32
    %mul3A_4 = arith.muli %mul3A_2, %mul3A_3 : i32
    "tpu.region"() ({
      %run_scoped3A = tpu.sem_alloc : memref<!tpu.dma_semaphore, #tpu.memory_space<semaphore_mem>>
      %dma_start3A = tpu.memref_slice %arg2[%mul3A_4] : memref<32768xi32, #tpu.memory_space<hbm>> -> memref<1024xi32, #tpu.memory_space<hbm>>
      %dma_start3A_21 = tpu.memref_slice %arg2[%mul3A_4] : memref<32768xi32, #tpu.memory_space<hbm>> -> memref<1024xi32, #tpu.memory_space<hbm>>
      tpu.enqueue_dma source(%dma_start3A_21 : memref<1024xi32, #tpu.memory_space<hbm>>) target(%arg8 : memref<1024xi32, #tpu.memory_space<vmem>>) target_semaphore(%run_scoped3A : memref<!tpu.dma_semaphore, #tpu.memory_space<semaphore_mem>>)
      %dma_wait3A_22 = tpu.memref_slice %arg2[%mul3A_4] : memref<32768xi32, #tpu.memory_space<hbm>> -> memref<1024xi32, #tpu.memory_space<hbm>>
      %dma_wait3A_23 = tpu.memref_slice %arg2[%mul3A_4] : memref<32768xi32, #tpu.memory_space<hbm>> -> memref<1024xi32, #tpu.memory_space<hbm>>
      tpu.wait_dma2 semaphore(%run_scoped3A : memref<!tpu.dma_semaphore, #tpu.memory_space<semaphore_mem>>) src(%dma_wait3A_23 : memref<1024xi32, #tpu.memory_space<hbm>>) dst(%arg8 : memref<1024xi32, #tpu.memory_space<vmem>>)
      tpu.yield
    }) : () -> ()
    "tpu.region"() ({
      %run_scoped3A = tpu.sem_alloc : memref<!tpu.dma_semaphore, #tpu.memory_space<semaphore_mem>>
      %dma_start3A = arith.constant 0 : i32
      %dma_start3A_21 = tpu.memref_slice %arg3[%mul3A_2, %dma_start3A] : memref<2048x16xf32, #tpu.memory_space<hbm>> -> memref<64x16xf32, #tpu.memory_space<hbm>>
      %dma_start3A_22 = arith.constant 0 : i32
      %dma_start3A_23 = tpu.memref_slice %arg3[%mul3A_2, %dma_start3A_22] : memref<2048x16xf32, #tpu.memory_space<hbm>> -> memref<64x16xf32, #tpu.memory_space<hbm>>
      tpu.enqueue_dma source(%dma_start3A_23 : memref<64x16xf32, #tpu.memory_space<hbm>>) target(%arg9 : memref<64x16xf32, #tpu.memory_space<vmem>>) target_semaphore(%run_scoped3A : memref<!tpu.dma_semaphore, #tpu.memory_space<semaphore_mem>>)
      %dma_wait3A_24 = arith.constant 0 : i32
      %dma_wait3A_25 = tpu.memref_slice %arg3[%mul3A_2, %dma_wait3A_24] : memref<2048x16xf32, #tpu.memory_space<hbm>> -> memref<64x16xf32, #tpu.memory_space<hbm>>
      %dma_wait3A_26 = arith.constant 0 : i32
      %dma_wait3A_27 = tpu.memref_slice %arg3[%mul3A_2, %dma_wait3A_26] : memref<2048x16xf32, #tpu.memory_space<hbm>> -> memref<64x16xf32, #tpu.memory_space<hbm>>
      tpu.wait_dma2 semaphore(%run_scoped3A : memref<!tpu.dma_semaphore, #tpu.memory_space<semaphore_mem>>) src(%dma_wait3A_27 : memref<64x16xf32, #tpu.memory_space<hbm>>) dst(%arg9 : memref<64x16xf32, #tpu.memory_space<vmem>>)
      tpu.yield
    }) : () -> ()
    tpu.wait_dma2 semaphore(%arg12 : memref<!tpu.dma_semaphore, #tpu.memory_space<semaphore_mem>>) src(%arg4 : memref<2x2048xf32, #tpu.memory_space<hbm>>) dst(%arg6 : memref<2x2048xf32, #tpu.memory_space<vmem>>)
    tpu.wait_dma2 semaphore(%arg13 : memref<!tpu.dma_semaphore, #tpu.memory_space<semaphore_mem>>) src(%arg4 : memref<2x2048xf32, #tpu.memory_space<hbm>>) dst(%arg7 : memref<2x2048xf32, #tpu.memory_space<vmem>>)
    %broadcast_in_dim3A = arith.constant 0.000000e+00 : f32
    %broadcast_in_dim3A_5 = vector.broadcast %broadcast_in_dim3A : f32 to vector<16xf32>
    %scan3A = arith.constant 0 : i32
    %scan3A_6 = arith.constant 16 : i32
    %scan3A_7 = arith.addi %scan3A, %scan3A_6 : i32
    %scan3A_8 = arith.constant 1 : i32
    scf.for %scan3A_21 = %scan3A to %scan3A_7 step %scan3A_8  : i32 {
      %mul3A_22 = arith.constant 2 : i32
      %mul3A_23 = arith.muli %scan3A_21, %mul3A_22 : i32
      %add3A_24 = arith.constant 0 : i32
      %add3A_25 = arith.addi %mul3A_23, %add3A_24 : i32
      %gt3A = arith.constant 0 : i32
      %gt3A_26 = arith.cmpi sgt, %scan3A_21, %gt3A : i32
      %convert_element_type3A = arith.extui %gt3A_26 : i1 to i32
      %cond3A = arith.constant 0 : i32
      %cond3A_27 = arith.cmpi ne, %convert_element_type3A, %cond3A : i32
      scf.if %cond3A_27 {
        %sub3A = arith.constant 2 : i32
        %sub3A_111 = arith.subi %add3A_25, %sub3A : i32
        %mul3A_112 = arith.constant 2 : i32
        %mul3A_113 = arith.muli %sub3A_111, %mul3A_112 : i32
        %add3A_114 = arith.addi %mul3A_2, %mul3A_113 : i32
        %dma_wait3A_115 = arith.constant 0 : i32
        %dma_wait3A_116 = tpu.memref_slice %arg5[%add3A_114, %dma_wait3A_115] : memref<2048x2048xf32, #tpu.memory_space<hbm>> -> memref<2x2048xf32, #tpu.memory_space<hbm>>
        %dma_wait3A_117 = arith.constant 0 : i32
        %dma_wait3A_118 = tpu.memref_slice %arg5[%add3A_114, %dma_wait3A_117] : memref<2048x2048xf32, #tpu.memory_space<hbm>> -> memref<2x2048xf32, #tpu.memory_space<hbm>>
        tpu.wait_dma2 semaphore(%arg10 : memref<!tpu.dma_semaphore, #tpu.memory_space<semaphore_mem>>) src(%arg6 : memref<2x2048xf32, #tpu.memory_space<vmem>>) dst(%dma_wait3A_118 : memref<2x2048xf32, #tpu.memory_space<hbm>>)
        %scan3A_119 = arith.constant 0 : i32
        %sub3A_120 = arith.constant 2 : i32
        %sub3A_121 = arith.subi %add3A_25, %sub3A_120 : i32
        %mul3A_122 = arith.constant 2 : i32
        %mul3A_123 = arith.muli %sub3A_121, %mul3A_122 : i32
        %add3A_124 = arith.addi %mul3A_123, %scan3A_119 : i32
        %mul3A_125 = arith.constant 16 : i32
        %mul3A_126 = arith.muli %add3A_124, %mul3A_125 : i32
        %broadcast_in_dim3A_127 = vector.broadcast %scan3A_119 : i32 to vector<16xi32>
        %get3A_128 = arith.index_cast %mul3A_126 : i32 to index
        %get3A_129 = tpu.vector_load %arg8[%get3A_128] {strides = array<i32>} : memref<1024xi32, #tpu.memory_space<vmem>>, vector<16xi32>,
        tpu.vector_store_idx %arg6[%broadcast_in_dim3A_127, %get3A_129], %broadcast_in_dim3A_5 : memref<2x2048xf32, #tpu.memory_space<vmem>>[vector<16xi32>, vector<16xi32>], vector<16xf32>,
        %scan3A_130 = arith.constant 1 : i32
        %sub3A_131 = arith.constant 2 : i32
        %sub3A_132 = arith.subi %add3A_25, %sub3A_131 : i32
        %mul3A_133 = arith.constant 2 : i32
        %mul3A_134 = arith.muli %sub3A_132, %mul3A_133 : i32
        %add3A_135 = arith.addi %mul3A_134, %scan3A_130 : i32
        %mul3A_136 = arith.constant 16 : i32
        %mul3A_137 = arith.muli %add3A_135, %mul3A_136 : i32
        %broadcast_in_dim3A_138 = vector.broadcast %scan3A_130 : i32 to vector<16xi32>
        %get3A_139 = arith.index_cast %mul3A_137 : i32 to index
        %get3A_140 = tpu.vector_load %arg8[%get3A_139] {strides = array<i32>} : memref<1024xi32, #tpu.memory_space<vmem>>, vector<16xi32>,
        tpu.vector_store_idx %arg6[%broadcast_in_dim3A_138, %get3A_140], %broadcast_in_dim3A_5 : memref<2x2048xf32, #tpu.memory_space<vmem>>[vector<16xi32>, vector<16xi32>], vector<16xf32>,
        %scan3A_141 = arith.constant 2 : i32
      } else {
      }
      %scan3A_28 = arith.constant 0 : i32
      %mul3A_29 = arith.constant 2 : i32
      %mul3A_30 = arith.muli %add3A_25, %mul3A_29 : i32
      %add3A_31 = arith.addi %mul3A_30, %scan3A_28 : i32
      %mul3A_32 = arith.constant 16 : i32
      %mul3A_33 = arith.muli %add3A_31, %mul3A_32 : i32
      %get3A = arith.index_cast %mul3A_33 : i32 to index
      %get3A_34 = tpu.vector_load %arg8[%get3A] {strides = array<i32>} : memref<1024xi32, #tpu.memory_space<vmem>>, vector<16xi32>,
      %mul3A_35 = arith.constant 2 : i32
      %mul3A_36 = arith.muli %add3A_25, %mul3A_35 : i32
      %add3A_37 = arith.addi %mul3A_36, %scan3A_28 : i32
      %get3A_38 = arith.index_cast %add3A_37 : i32 to index
      %get3A_39 = arith.constant 0 : index
      %get3A_40 = tpu.vector_load %arg9[%get3A_38, %get3A_39] {strides = array<i32>} : memref<64x16xf32, #tpu.memory_space<vmem>>, vector<16xf32>,
      %broadcast_in_dim3A_41 = vector.broadcast %scan3A_28 : i32 to vector<16xi32>
      tpu.vector_store_idx %arg6[%broadcast_in_dim3A_41, %get3A_34], %get3A_40 {add = true} : memref<2x2048xf32, #tpu.memory_space<vmem>>[vector<16xi32>, vector<16xi32>], vector<16xf32>,
      %scan3A_42 = arith.constant 1 : i32
      %mul3A_43 = arith.constant 2 : i32
      %mul3A_44 = arith.muli %add3A_25, %mul3A_43 : i32
      %add3A_45 = arith.addi %mul3A_44, %scan3A_42 : i32
      %mul3A_46 = arith.constant 16 : i32
      %mul3A_47 = arith.muli %add3A_45, %mul3A_46 : i32
      %get3A_48 = arith.index_cast %mul3A_47 : i32 to index
      %get3A_49 = tpu.vector_load %arg8[%get3A_48] {strides = array<i32>} : memref<1024xi32, #tpu.memory_space<vmem>>, vector<16xi32>,
      %mul3A_50 = arith.constant 2 : i32
      %mul3A_51 = arith.muli %add3A_25, %mul3A_50 : i32
      %add3A_52 = arith.addi %mul3A_51, %scan3A_42 : i32
      %get3A_53 = arith.index_cast %add3A_52 : i32 to index
      %get3A_54 = arith.constant 0 : index
      %get3A_55 = tpu.vector_load %arg9[%get3A_53, %get3A_54] {strides = array<i32>} : memref<64x16xf32, #tpu.memory_space<vmem>>, vector<16xf32>,
      %broadcast_in_dim3A_56 = vector.broadcast %scan3A_42 : i32 to vector<16xi32>
      tpu.vector_store_idx %arg6[%broadcast_in_dim3A_56, %get3A_49], %get3A_55 {add = true} : memref<2x2048xf32, #tpu.memory_space<vmem>>[vector<16xi32>, vector<16xi32>], vector<16xf32>,
      %scan3A_57 = arith.constant 2 : i32
      %mul3A_58 = arith.constant 2 : i32
      %mul3A_59 = arith.muli %add3A_25, %mul3A_58 : i32
      %add3A_60 = arith.addi %mul3A_2, %mul3A_59 : i32
      %dma_start3A = arith.constant 0 : i32
      %dma_start3A_61 = tpu.memref_slice %arg5[%add3A_60, %dma_start3A] : memref<2048x2048xf32, #tpu.memory_space<hbm>> -> memref<2x2048xf32, #tpu.memory_space<hbm>>
      %dma_start3A_62 = arith.constant 0 : i32
      %dma_start3A_63 = tpu.memref_slice %arg5[%add3A_60, %dma_start3A_62] : memref<2048x2048xf32, #tpu.memory_space<hbm>> -> memref<2x2048xf32, #tpu.memory_space<hbm>>
      tpu.enqueue_dma source(%arg6 : memref<2x2048xf32, #tpu.memory_space<vmem>>) target(%dma_start3A_63 : memref<2x2048xf32, #tpu.memory_space<hbm>>) target_semaphore(%arg10 : memref<!tpu.dma_semaphore, #tpu.memory_space<semaphore_mem>>)
      %mul3A_64 = arith.constant 2 : i32
      %mul3A_65 = arith.muli %scan3A_21, %mul3A_64 : i32
      %add3A_66 = arith.constant 1 : i32
      %add3A_67 = arith.addi %mul3A_65, %add3A_66 : i32
      %gt3A_68 = arith.constant 0 : i32
      %gt3A_69 = arith.cmpi sgt, %scan3A_21, %gt3A_68 : i32
      %convert_element_type3A_70 = arith.extui %gt3A_69 : i1 to i32
      %cond3A_71 = arith.constant 0 : i32
      %cond3A_72 = arith.cmpi ne, %convert_element_type3A_70, %cond3A_71 : i32
      scf.if %cond3A_72 {
        %sub3A = arith.constant 2 : i32
        %sub3A_111 = arith.subi %add3A_67, %sub3A : i32
        %mul3A_112 = arith.constant 2 : i32
        %mul3A_113 = arith.muli %sub3A_111, %mul3A_112 : i32
        %add3A_114 = arith.addi %mul3A_2, %mul3A_113 : i32
        %dma_wait3A_115 = arith.constant 0 : i32
        %dma_wait3A_116 = tpu.memref_slice %arg5[%add3A_114, %dma_wait3A_115] : memref<2048x2048xf32, #tpu.memory_space<hbm>> -> memref<2x2048xf32, #tpu.memory_space<hbm>>
        %dma_wait3A_117 = arith.constant 0 : i32
        %dma_wait3A_118 = tpu.memref_slice %arg5[%add3A_114, %dma_wait3A_117] : memref<2048x2048xf32, #tpu.memory_space<hbm>> -> memref<2x2048xf32, #tpu.memory_space<hbm>>
        tpu.wait_dma2 semaphore(%arg11 : memref<!tpu.dma_semaphore, #tpu.memory_space<semaphore_mem>>) src(%arg7 : memref<2x2048xf32, #tpu.memory_space<vmem>>) dst(%dma_wait3A_118 : memref<2x2048xf32, #tpu.memory_space<hbm>>)
        %scan3A_119 = arith.constant 0 : i32
        %sub3A_120 = arith.constant 2 : i32
        %sub3A_121 = arith.subi %add3A_67, %sub3A_120 : i32
        %mul3A_122 = arith.constant 2 : i32
        %mul3A_123 = arith.muli %sub3A_121, %mul3A_122 : i32
        %add3A_124 = arith.addi %mul3A_123, %scan3A_119 : i32
        %mul3A_125 = arith.constant 16 : i32
        %mul3A_126 = arith.muli %add3A_124, %mul3A_125 : i32
        %broadcast_in_dim3A_127 = vector.broadcast %scan3A_119 : i32 to vector<16xi32>
        %get3A_128 = arith.index_cast %mul3A_126 : i32 to index
        %get3A_129 = tpu.vector_load %arg8[%get3A_128] {strides = array<i32>} : memref<1024xi32, #tpu.memory_space<vmem>>, vector<16xi32>,
        tpu.vector_store_idx %arg7[%broadcast_in_dim3A_127, %get3A_129], %broadcast_in_dim3A_5 : memref<2x2048xf32, #tpu.memory_space<vmem>>[vector<16xi32>, vector<16xi32>], vector<16xf32>,
        %scan3A_130 = arith.constant 1 : i32
        %sub3A_131 = arith.constant 2 : i32
        %sub3A_132 = arith.subi %add3A_67, %sub3A_131 : i32
        %mul3A_133 = arith.constant 2 : i32
        %mul3A_134 = arith.muli %sub3A_132, %mul3A_133 : i32
        %add3A_135 = arith.addi %mul3A_134, %scan3A_130 : i32
        %mul3A_136 = arith.constant 16 : i32
        %mul3A_137 = arith.muli %add3A_135, %mul3A_136 : i32
        %broadcast_in_dim3A_138 = vector.broadcast %scan3A_130 : i32 to vector<16xi32>
        %get3A_139 = arith.index_cast %mul3A_137 : i32 to index
        %get3A_140 = tpu.vector_load %arg8[%get3A_139] {strides = array<i32>} : memref<1024xi32, #tpu.memory_space<vmem>>, vector<16xi32>,
        tpu.vector_store_idx %arg7[%broadcast_in_dim3A_138, %get3A_140], %broadcast_in_dim3A_5 : memref<2x2048xf32, #tpu.memory_space<vmem>>[vector<16xi32>, vector<16xi32>], vector<16xf32>,
        %scan3A_141 = arith.constant 2 : i32
      } else {
      }
      %scan3A_73 = arith.constant 0 : i32
      %mul3A_74 = arith.constant 2 : i32
      %mul3A_75 = arith.muli %add3A_67, %mul3A_74 : i32
      %add3A_76 = arith.addi %mul3A_75, %scan3A_73 : i32
      %mul3A_77 = arith.constant 16 : i32
      %mul3A_78 = arith.muli %add3A_76, %mul3A_77 : i32
      %get3A_79 = arith.index_cast %mul3A_78 : i32 to index
      %get3A_80 = tpu.vector_load %arg8[%get3A_79] {strides = array<i32>} : memref<1024xi32, #tpu.memory_space<vmem>>, vector<16xi32>,
      %mul3A_81 = arith.constant 2 : i32
      %mul3A_82 = arith.muli %add3A_67, %mul3A_81 : i32
      %add3A_83 = arith.addi %mul3A_82, %scan3A_73 : i32
      %get3A_84 = arith.index_cast %add3A_83 : i32 to index
      %get3A_85 = arith.constant 0 : index
      %get3A_86 = tpu.vector_load %arg9[%get3A_84, %get3A_85] {strides = array<i32>} : memref<64x16xf32, #tpu.memory_space<vmem>>, vector<16xf32>,
      %broadcast_in_dim3A_87 = vector.broadcast %scan3A_73 : i32 to vector<16xi32>
      tpu.vector_store_idx %arg7[%broadcast_in_dim3A_87, %get3A_80], %get3A_86 {add = true} : memref<2x2048xf32, #tpu.memory_space<vmem>>[vector<16xi32>, vector<16xi32>], vector<16xf32>,
      %scan3A_88 = arith.constant 1 : i32
      %mul3A_89 = arith.constant 2 : i32
      %mul3A_90 = arith.muli %add3A_67, %mul3A_89 : i32
      %add3A_91 = arith.addi %mul3A_90, %scan3A_88 : i32
      %mul3A_92 = arith.constant 16 : i32
      %mul3A_93 = arith.muli %add3A_91, %mul3A_92 : i32
      %get3A_94 = arith.index_cast %mul3A_93 : i32 to index
      %get3A_95 = tpu.vector_load %arg8[%get3A_94] {strides = array<i32>} : memref<1024xi32, #tpu.memory_space<vmem>>, vector<16xi32>,
      %mul3A_96 = arith.constant 2 : i32
      %mul3A_97 = arith.muli %add3A_67, %mul3A_96 : i32
      %add3A_98 = arith.addi %mul3A_97, %scan3A_88 : i32
      %get3A_99 = arith.index_cast %add3A_98 : i32 to index
      %get3A_100 = arith.constant 0 : index
      %get3A_101 = tpu.vector_load %arg9[%get3A_99, %get3A_100] {strides = array<i32>} : memref<64x16xf32, #tpu.memory_space<vmem>>, vector<16xf32>,
      %broadcast_in_dim3A_102 = vector.broadcast %scan3A_88 : i32 to vector<16xi32>
      tpu.vector_store_idx %arg7[%broadcast_in_dim3A_102, %get3A_95], %get3A_101 {add = true} : memref<2x2048xf32, #tpu.memory_space<vmem>>[vector<16xi32>, vector<16xi32>], vector<16xf32>,
      %scan3A_103 = arith.constant 2 : i32
      %mul3A_104 = arith.constant 2 : i32
      %mul3A_105 = arith.muli %add3A_67, %mul3A_104 : i32
      %add3A_106 = arith.addi %mul3A_2, %mul3A_105 : i32
      %dma_start3A_107 = arith.constant 0 : i32
      %dma_start3A_108 = tpu.memref_slice %arg5[%add3A_106, %dma_start3A_107] : memref<2048x2048xf32, #tpu.memory_space<hbm>> -> memref<2x2048xf32, #tpu.memory_space<hbm>>
      %dma_start3A_109 = arith.constant 0 : i32
      %dma_start3A_110 = tpu.memref_slice %arg5[%add3A_106, %dma_start3A_109] : memref<2048x2048xf32, #tpu.memory_space<hbm>> -> memref<2x2048xf32, #tpu.memory_space<hbm>>
      tpu.enqueue_dma source(%arg7 : memref<2x2048xf32, #tpu.memory_space<vmem>>) target(%dma_start3A_110 : memref<2x2048xf32, #tpu.memory_space<hbm>>) target_semaphore(%arg11 : memref<!tpu.dma_semaphore, #tpu.memory_space<semaphore_mem>>)
    }
    %scan3A_9 = arith.constant 16 : i32
    %add3A_10 = arith.constant 60 : i32
    %add3A_11 = arith.addi %mul3A_2, %add3A_10 : i32
    %dma_wait3A = arith.constant 0 : i32
    %dma_wait3A_12 = tpu.memref_slice %arg5[%add3A_11, %dma_wait3A] : memref<2048x2048xf32, #tpu.memory_space<hbm>> -> memref<2x2048xf32, #tpu.memory_space<hbm>>
    %dma_wait3A_13 = arith.constant 0 : i32
    %dma_wait3A_14 = tpu.memref_slice %arg5[%add3A_11, %dma_wait3A_13] : memref<2048x2048xf32, #tpu.memory_space<hbm>> -> memref<2x2048xf32, #tpu.memory_space<hbm>>
    tpu.wait_dma2 semaphore(%arg10 : memref<!tpu.dma_semaphore, #tpu.memory_space<semaphore_mem>>) src(%arg6 : memref<2x2048xf32, #tpu.memory_space<vmem>>) dst(%dma_wait3A_14 : memref<2x2048xf32, #tpu.memory_space<hbm>>)
    %add3A_15 = arith.constant 62 : i32
    %add3A_16 = arith.addi %mul3A_2, %add3A_15 : i32
    %dma_wait3A_17 = arith.constant 0 : i32
    %dma_wait3A_18 = tpu.memref_slice %arg5[%add3A_16, %dma_wait3A_17] : memref<2048x2048xf32, #tpu.memory_space<hbm>> -> memref<2x2048xf32, #tpu.memory_space<hbm>>
    %dma_wait3A_19 = arith.constant 0 : i32
    %dma_wait3A_20 = tpu.memref_slice %arg5[%add3A_16, %dma_wait3A_19] : memref<2048x2048xf32, #tpu.memory_space<hbm>> -> memref<2x2048xf32, #tpu.memory_space<hbm>>
    tpu.wait_dma2 semaphore(%arg11 : memref<!tpu.dma_semaphore, #tpu.memory_space<semaphore_mem>>) src(%arg7 : memref<2x2048xf32, #tpu.memory_space<vmem>>) dst(%dma_wait3A_20 : memref<2x2048xf32, #tpu.memory_space<hbm>>)
    return
  }
}

module attributes {stable_mosaic.version = 14 : i64} {
  func.func @body(%arg0: i32, %arg1: memref<2048x2048xf32, #tpu.memory_space<vmem>>, %arg2: memref<256x2048xf32, #tpu.memory_space<vmem>>, %arg3: memref<256xf32, #tpu.memory_space<vmem>>, %arg4: memref<1x2048x256xf32, #tpu.memory_space<vmem>>) attributes {dimension_semantics = [#tpu.dimension_semantics<arbitrary>], iteration_bounds = array<i64: 8>, scalar_prefetch = 0 : i64, scratch_operands = 0 : i64, tpu.core_type = #tpu.core_type<tc>, window_params = [{pipeline_mode = #tpu.pipeline_mode<synchronous>, transform_indices = @transform_0, window_bounds = array<i64: 2048, 2048>}, {transform_indices = @transform_1, window_bounds = array<i64: 256, 2048>}, {transform_indices = @transform_2, window_bounds = array<i64: 256>}, {transform_indices = @transform_3, window_bounds = array<i64: 1, 2048, 256>}]} {
    %get3A = arith.constant 0 : index
    %get3A_0 = arith.constant 0 : index
    %get3A_1 = vector.load %arg1[%get3A, %get3A_0] : memref<2048x2048xf32, #tpu.memory_space<vmem>>, vector<2048x2048xf32>
    %get3A_2 = arith.constant 0 : index
    %get3A_3 = arith.constant 0 : index
    %get3A_4 = vector.load %arg2[%get3A_2, %get3A_3] : memref<256x2048xf32, #tpu.memory_space<vmem>>, vector<256x2048xf32>
    %dot_general3A = arith.constant dense<0.000000e+00> : vector<2048x256xf32>
    %dot_general3A_5 = tpu.matmul %get3A_1, %get3A_4, %dot_general3A {dimension_numbers = #tpu.dot_dimension_numbers<[1], [1], [0], [0], [0, 0, 1, 0], [], []>, transpose_lhs_hint = false} : vector<2048x2048xf32>, vector<256x2048xf32>, vector<2048x256xf32> -> vector<2048x256xf32>
    %get3A_6 = arith.constant 0 : index
    %get3A_7 = vector.load %arg3[%get3A_6] : memref<256xf32, #tpu.memory_space<vmem>>, vector<256xf32>
    %broadcast_in_dim3A = vector.shape_cast %get3A_7 : vector<256xf32> to vector<1x256xf32>
    %add3A = vector.broadcast %broadcast_in_dim3A : vector<1x256xf32> to vector<2048x256xf32>
    %add3A_8 = arith.addf %dot_general3A_5, %add3A : vector<2048x256xf32>
    %broadcast_in_dim3A_9 = vector.shape_cast %add3A_8 : vector<2048x256xf32> to vector<1x2048x256xf32>
    %swap3A = arith.constant 0 : index
    %swap3A_10 = arith.constant 0 : index
    %swap3A_11 = arith.constant 0 : index
    %swap3A_12 = vector.load %arg4[%swap3A, %swap3A_10, %swap3A_11] : memref<1x2048x256xf32, #tpu.memory_space<vmem>>, vector<1x2048x256xf32>
    tpu.vector_store %arg4[%swap3A, %swap3A_10, %swap3A_11], %broadcast_in_dim3A_9 {strides = array<i32>} : memref<1x2048x256xf32, #tpu.memory_space<vmem>>, vector<1x2048x256xf32>,
    return
  }
  func.func @transform_0(%arg0: i32) -> (i32, i32) {
    %c0_i32 = arith.constant 0 : i32
    %c0_i32_0 = arith.constant 0 : i32
    %c0_i32_1 = arith.constant 0 : i32
    return %c0_i32, %c0_i32_0 : i32, i32
  }
  func.func @transform_1(%arg0: i32) -> (i32, i32) {
    %c0_i32 = arith.constant 0 : i32
    %c0_i32_0 = arith.constant 0 : i32
    return %arg0, %c0_i32 : i32, i32
  }
  func.func @transform_2(%arg0: i32) -> i32 {
    %c0_i32 = arith.constant 0 : i32
    return %arg0 : i32
  }
  func.func @transform_3(%arg0: i32) -> (i32, i32, i32) {
    %c0_i32 = arith.constant 0 : i32
    %c0_i32_0 = arith.constant 0 : i32
    %c0_i32_1 = arith.constant 0 : i32
    return %c0_i32, %c0_i32_0, %arg0 : i32, i32, i32
  }
}

</mosaic_0001>

<sc_bundles>
// kernel: kernel.4.cloned.1.call-start
scs
__scs_entry_jumppad:
0x0: {  	(pc) =	sbr.rel $0x88, $3  }
0x1: {  	(tag) =	ssettag $0x0;
	lr =	simm.s32 $0x1  }
0x2: {  	[smem:$0x3F9D] =	sst lr;
	_ =	strace $0xD0000000  }
0x3: {  	_ = 	snop  }
0x4: {  	_ = 	snop  }
0x5: {  	_ = 	snop  }
0x6: {  	_ = 	snop  }
0x7: {  	_ = 	snop  }
__scs_overlays_trampoline_lowered:
0x8: {  	[smem:$0x3FAC] =	sst s0  }
0x9: {  	[smem:$0x3FAD] =	sst s1  }
0xa: {  	[smem:$0x3FAE] =	sst s2  }
0xb: {  	[smem:$0x3FAF] =	sst s3  }
0xc: {  	[smem:$0x3FB0] =	sst s4  }
0xd: {  	[smem:$0x3FB1] =	sst s5  }
0xe: {  	[smem:$0x3FB2] =	sst s6  }
0xf: {  	[smem:$0x3FB3] =	sst s7  }
0x10: {  	[smem:$0x3FB4] =	sst s8  }
0x11: {  	[smem:$0x3FB5] =	sst s9;
	s0 =	simm.s32 @!p0 $0x0  }
0x12: {  	s1 =	sld [smem:$0x3F9B];
	s0 =	simm.s32 @p0 $0x1  }
0x13: {  	[smem:$0x3FB6] =	sst s0;
	s0 =	simm.s32 @!p1 $0x0  }
0x14: {  	s2 =	sld [smem:$0x3F9A];
	s0 =	simm.s32 @p1 $0x1  }
0x15: {  	[smem:$0x3FB7] =	sst s0;
	s0 =	simm.s32 @!p2 $0x0  }
0x16: {  	s3 =	sld [smem:$0x3FDB];
	s0 =	simm.s32 @p2 $0x1  }
0x17: {  	s4 =	simm.s32 $0x1BF5;
	[smem:$0x3FB9] =	sst s0  }
0x18: {  	s0 =	sld [smem:$0x3F9C];
	_ =	swait.ge [sflag:s4], $0x0  }
0x19: {  	s7 =	sld [smem:$0x3F9D]  }
0x1a: {  	s8 =	sadd.s32 $0xFFFFE003, lr  }
0x1b: {  	s9 =	sadd.s32 $0xFFFFFEF7, lr;
	s5 =	simm.s32 $0xFFFFFFFF;
	p2 =	slt.u32 s8, $0xFFFFF086  }
0x1c: {  	p1 =	slt.u32 s9, $0xF7A;
	s5 =	simm.s32 @!p2 $0x0  }
0x1d: {  	s5 =	simm.s32 @p1 $0x1;
	p0 =	seq.s32 s7, s2  }
0x1e: {  	s7 =	smul.u32 @!p0 $0xF7A, s2;
	p2 =	seq.s32 @!p0 s5, $0x0  }
0x1f: {  	s9 =	smul.u32 $0xF7A, s1;
	s8 =	simm.s32 @!p0 $0x1BF5;
	p2 =	por !p2, p0  }
0x20: {  	[sflag:s8] =	ssyncset.s32 @!p0 $0xFFFFF086;
	s6 =	sadd.s32 @!p0 s3, s7;
	s7 =	simm.s32 @!p0 $0x108  }
0x21: {  	s3 =	sadd.s32 s3, s9;
	s6 =	sadd.s32 @!p0 $0x88, s6;
	s7 =	simm.s32 @p2 $0x1082  }
0x22: {  	[simem:s7], [sflag:s8] =	dma.local @!p0 [hbm:s6], $0xF7A  }
0x23: {  	s9 =	sor.u32 $0xD0000000, s2;
	s6 =	simm.s32 $0x108;
	_ =	swait.ge @!p0 [sflag:s8], $0x0  }
0x24: {  	s3 =	sadd.s32 $0x88, s3;
	s6 =	simm.s32 @!p1 $0x1082;
	[sflag:s4] =	ssyncset.s32 $0xFFFFF086  }
0x25: {  	[simem:s6], [sflag:s4] =	dma.local [hbm:s3], $0xF7A  }
0x26: {  	[smem:$0x3F9D] =	sst s1;
	(tag) =	ssettag s2;
	_ =	strace s9  }
0x27: {  	s1 =	sld [smem:$0x3FAD]  }
0x28: {  	s2 =	sld [smem:$0x3FAE]  }
0x29: {  	s4 =	sld [smem:$0x3FB0]  }
0x2a: {  	p0 =	seq.s32 s5, $0x0;
	s5 =	sld [smem:$0x3FB1]  }
0x2b: {  	s6 =	sld [smem:$0x3FB2]  }
0x2c: {  	s7 =	sld [smem:$0x3FB3]  }
0x2d: {  	s3 =	simm.s32 $0x108;
	s8 =	sld [smem:$0x3FB4]  }
0x2e: {  	s3 =	simm.s32 @!p0 $0x1082;
	s9 =	sld [smem:$0x3FB5]  }
0x2f: {  	lr =	sadd.s32 s0, s3;
	s0 =	sld [smem:$0x3FAC]  }
0x30: {  	s3 =	sld [smem:$0x3FAF]  }
0x31: {  	[smem:$0x3FB8] =	sst s10  }
0x32: {  	s10 =	sld [smem:$0x3FB6];
	_ =	sdelay $0x3  }
0x33: {  	p0 =	seq.s32 s10, $0x1;
	s10 =	sld [smem:$0x3FB8];
	_ =	sdelay $0x3  }
0x34: {  	[smem:$0x3FB8] =	sst s10  }
0x35: {  	s10 =	sld [smem:$0x3FB7];
	_ =	sdelay $0x3  }
0x36: {  	p1 =	seq.s32 s10, $0x1;
	s10 =	sld [smem:$0x3FB8];
	_ =	sdelay $0x3  }
0x37: {  	[smem:$0x3FB8] =	sst s10  }
0x38: {  	s10 =	sld [smem:$0x3FB9]  }
0x39: {  	_ = 	snop;
	(pc) =	sbr.ind lr, $3  }
0x3a: {  	_ = 	snop  }
0x3b: {  	_ = 	snop  }
0x3c: {  	p2 =	seq.s32 s10, $0x1;
	s10 =	sld [smem:$0x3FB8]  }
0x3d: {  	_ =	shalt  }
0x3e: {  	_ =	shalt  }
0x3f: {  	_ =	shalt  }
0x40: {  	_ =	shalt  }
0x41: {  	_ =	shalt  }
0x42: {  	_ =	shalt  }
0x43: {  	_ =	shalt  }
0x44: {  	_ =	shalt  }
0x45: {  	_ =	shalt  }
0x46: {  	_ =	shalt  }
0x47: {  	_ =	shalt  }
0x48: {  	_ =	shalt  }
0x49: {  	_ =	shalt  }
0x4a: {  	_ =	shalt  }
0x4b: {  	_ =	shalt  }
0x4c: {  	_ =	shalt  }
0x4d: {  	_ =	shalt  }
0x4e: {  	_ =	shalt  }
0x4f: {  	_ =	shalt  }
0x50: {  	_ =	shalt  }
0x51: {  	_ =	shalt  }
0x52: {  	_ =	shalt  }
0x53: {  	_ =	shalt  }
0x54: {  	_ =	shalt  }
0x55: {  	_ =	shalt  }
0x56: {  	_ =	shalt  }
0x57: {  	_ =	shalt  }
0x58: {  	_ =	shalt  }
0x59: {  	_ =	shalt  }
0x5a: {  	_ =	shalt  }
0x5b: {  	_ =	shalt  }
0x5c: {  	_ =	shalt  }
0x5d: {  	_ =	shalt  }
0x5e: {  	_ =	shalt  }
0x5f: {  	_ =	shalt  }
0x60: {  	_ =	shalt  }
0x61: {  	_ =	shalt  }
0x62: {  	_ =	shalt  }
0x63: {  	_ =	shalt  }
0x64: {  	_ =	shalt  }
0x65: {  	_ =	shalt  }
0x66: {  	_ =	shalt  }
0x67: {  	_ =	shalt  }
0x68: {  	_ =	shalt  }
0x69: {  	_ =	shalt  }
0x6a: {  	_ =	shalt  }
0x6b: {  	_ =	shalt  }
0x6c: {  	_ =	shalt  }
0x6d: {  	_ =	shalt  }
0x6e: {  	_ =	shalt  }
0x6f: {  	_ =	shalt  }
0x70: {  	_ =	shalt  }
0x71: {  	_ =	shalt  }
0x72: {  	_ =	shalt  }
0x73: {  	_ =	shalt  }
0x74: {  	_ =	shalt  }
0x75: {  	_ =	shalt  }
0x76: {  	_ =	shalt  }
0x77: {  	_ =	shalt  }
0x78: {  	_ =	shalt  }
0x79: {  	_ =	shalt  }
0x7a: {  	_ =	shalt  }
0x7b: {  	_ =	shalt  }
0x7c: {  	_ =	shalt  }
0x7d: {  	_ =	shalt  }
0x7e: {  	_ =	shalt  }
0x7f: {  	_ =	shalt  }
0x80: {  	_ =	shalt  }
0x81: {  	_ =	shalt  }
0x82: {  	_ =	shalt  }
0x83: {  	_ =	shalt  }
0x84: {  	_ =	shalt  }
0x85: {  	_ =	shalt  }
0x86: {  	_ =	shalt  }
0x87: {  	_ =	shalt  }
.Lfunc_end0:
.L_simem_size_0:
called_computation_lowered:
.L_overlay_start_0:
0x88: {  	s2 =	sld [smem:$0x3FD9]  }
0x89: {  	s3 =	sld [smem:$0x3FFE];
	_ =	sdelay $0x1  }
0x8a: {  	s1 =	srdreg.scid  }
0x8b: {  	s0 =	sand.u32 $0x1, s1  }
0x8c: {  	s17 =	sshll.u32 s0, $0xA;
	s2 =	sadd.s32 s3, s2  }
0x8d: {  	s2 =	sadd.s32 s2, s17  }
0x8e: {  	[smem:$0x3FC4] =	sst s2  }
0x8f: {  	_ = 	snop  }
0x90: {  	s2 =	sld [smem:$0x3FC8]  }
0x91: {  	s18 =	sld [smem:$0x3FD0];
	(tm) =	ssettm $0x1  }
0x92: {  	s4 =	sld [smem:$0x3FFB];
	_ =	sdelay $0x3  }
0x93: {  	_ =	strace s4  }
0x94: {  	s4 =	sld [smem:$0x3FFC];
	_ =	sdelay $0x3  }
0x95: {  	_ =	strace s4  }
0x96: {  	s4 =	sld [smem:$0x3FFD];
	_ =	sdelay $0x3  }
0x97: {  	_ =	strace s4  }
0x98: {  	_ =	strace $0x8FFFFFFF  }
0x99: {  	s19 =	sld [smem:$0x3FDB];
	_ =	sdelay $0x1  }
0x9a: {  	s5 =	simm.s32 $_scs_section_size  }
0x9b: {  	s6 =	simm.s32 $_size__tile_overlayer_lowered;
	s7 =	simm.s32 $_tile_overlayer_lowered  }
0x9c: {  	s22 =	simm.s32 $0x1BFF;
	s21 =	sshll.u32 s7, $0x1;
	s4 =	sadd.s32 s5, s19  }
0x9d: {  	s8 =	simm.s32 $0x0;
	s20 =	sshll.u32 s6, $0x1;
	s6 =	sadd.s32 s21, s4  }
0x9e: {  	[timem:s8], [sflag:s22] =	dma.local [hbm:s6], s20  }
0x9f: {  	_ =	swait.ge [sflag:s22], s20  }
0xa0: {  	s5 =	ssub.s32 $0x0, s20;
	[sflag:s22] =	ssyncset.done $0x0  }
0xa1: {  	[sflag:s22] =	ssyncadd.s32 s5;
	_ =	sdelay $0x1  }
0xa2: {  	s23 =	simm.s32 $0x1B8B  }
0xa3: {  	_ =	swait.ge [sflag:s23], $0x1  }
0xa4: {  	[sflag:s23] =	ssyncset.done $0x0  }
0xa5: {  	s25 =	simm.s32 $0x1B8E;
	s24 =	sld [smem:$0x3FFE];
	[sflag:s23] =	ssyncadd.s32 $0xFFFFFFFF  }
0xa6: {  	s26 =	simm.s32 $execute0_lowered;
	[smem:$0x3FD2] =	sst s25  }
0xa7: {  	s6 =	sshll.u32 s26, $0x1;
	_ =	strace $0x80000046;
	[dreg:$0x1] =	wrdreg $0xFFFFFFFF  }
0xa8: {  	s28 =	simm.s32 $_size_execute0_lowered;
	s4 =	sadd.s32 s4, s6;
	[dreg:$0x0] =	wrdreg $0x0  }
0xa9: {  	s6 =	sshll.u32 s28, $0x1;
	[dreg:$0x2] =	wrdreg s4  }
0xaa: {  	[dreg:$0x3] =	wrdreg s6  }
0xab: {  	[dreg:$0x4] =	wrdreg $0xC0  }
0xac: {  	_ =	task [dreg:s8], $0x5FFFF  }
0xad: {  	[dreg:$0x1] =	wrdreg $0xFFFFFFFF  }
0xae: {  	[dreg:$0x0] =	wrdreg $0x60  }
0xaf: {  	[dreg:$0x2] =	wrdreg s2  }
0xb0: {  	[dreg:$0x3] =	wrdreg s18  }
0xb1: {  	[dreg:$0x4] =	wrdreg s24  }
0xb2: {  	[dreg:$0x5] =	wrdreg $0x9  }
0xb3: {  	_ =	task.clear_ibuf [dreg:s8], $0x6FFFF;
	_ =	strace $0x90000046  }
0xb4: {  	s29 =	simm.s32 $0x9;
	_ =	strace $0x80000048  }
0xb5: {  	_ =	swait.ge [sflag:s29], $0x1  }
0xb6: {  	[sflag:s29] =	ssyncadd.s32 $0xFFFFFFFF  }
0xb7: {  	_ =	strace $0x90000048  }
0xb8: {  	_ =	sfence  }
0xb9: {  	s30 =	sld [smem:$0x0];
	_ =	sdelay $0x2  }
0xba: {  	s31 =	sshll.u32 s1, $0xD;
	s1 =	sshrl.u32 s1, $0x2  }
0xbb: {  	s3 =	sand.u32 $0x4000, s31;
	s1 =	sadd.s32 s1, s30  }
0xbc: {  	s0 =	sor.u32 s3, s0;
	s1 =	sshll.u32 s1, $0x11  }
0xbd: {  	s0 =	sor.u32 s1, s0  }
0xbe: {  	s0 =	sadd.s32 $0x8F2B, s0  }
0xbf: {  	[sflag:s0] =	ssyncadd.remote.s32 $0x1  }
0xc0: {  	_ =	sfence.sel $0xFFFF  }
0xc1: {  	[dreg:$0x0] =	wrdreg $0xFFFFFFFF;
	(pc) =	sbr.abs _section_cstart, $3  }
0xc2: {  	[dreg:$0x1] =	wrdreg $0xFFFFFFFF  }
0xc3: {  	_ =	task.clear_ibuf [dreg:s8], $0x2FFFF;
	_ =	strace $0x9FFFFFFF  }
0xc4: {  	(tm) =	ssettm $0x7FFFFFFF  }
0xc5: {  	_ =	shalt  }
tec
execute0_lowered:
.L_overlay_start_1:
0x0: {  	(tag) =	ssettag $0x1  }
0x1: {  	s5 =	rddreg [dreg:$0x0]  }
0x2: {  	s6 =	rddreg [dreg:$0x1]  }
0x3: {  	s4 =	rddreg [dreg:$0x2]  }
0x4: {  	s0 =	rddreg [dreg:$0x3];
	s2 =	simm.s32 $0x0;
	s7 =	srdreg.scid  }
0x5: {  	s1 =	stileid.u32;
	s12 =	simm.s32 $0x2400;
	s13 =	simm.s32 $0x3  }
0x6: {  	s14 =	simm.s32 $0x4;
	s15 =	simm.s32 $0x100;
	s16 =	simm.s32 $0x400  }
0x7: {  	s17 =	simm.s32 $0x1;
	s18 =	simm.s32 $0x2;
	s19 =	simm.s32 $0x0  }
0x8: {  	[smem:$0x7FF] =	sst s2;
	s3 =	sadd.s32 $0x1600, s4;
	s8 =	sand.u32 $0x1, s7  }
0x9: {  	s30 =	sshll.u32 s1, $0x1;
	s4 =	sadd.s32 $0x1800, s4;
	s31 =	sshll.u32 s1, $0xF  }
0xa: {  	_ =	strace $0x80000047;
	s9 =	ssub.s32 $0x2, s8;
	s7 =	sor.u32 s8, s30  }
0xb: {  	s8 =	sshll.u32 s8, $0xE;
	s10 =	sshrl.u32 s9, $0x1;
	s11 =	sshll.u32 s7, $0x7  }
0xc: {  	s7 =	sshll.u32 s7, $0xA;
	s8 =	sor.u32 s8, s31;
	s9 =	ssub.s32 s9, s10  }
0xd: {  	s5 =	sadd.s32 s5, s11;
	s6 =	sadd.s32 s6, s7;
	s10 =	simm.s32 $0x2000  }
0xe: {  	s11 =	simm.s32 $0x5;
	s7 =	smax.u32 s9, $0x1;
	s9 =	simm.s32 $0x1000  }
.LBB2_1:
0xf: {  	[tilespmem:s2], [sflag:$0x3] =	stream.linear.gather [hbm4b:s3+s2], $0x1000, $0x38;
	[tilespmem:$0x4400] =	vst v63  }
0x10: {  	_ = 	snop  }
0x11: {  	[tilespmem:s9], [sflag:$0x4] =	stream.linear.gather [hbm4b:s3+s2], $0x1000, $0x38;
	[tilespmem:$0x4400] =	vst v63  }
0x12: {  	_ = 	snop  }
0x13: {  	[tilespmem:s10], [sflag:$0x5] =	stream.linear.gather [hbm4b:s5+s2], $0x400, $0x38;
	[tilespmem:$0x4400] =	vst v63  }
0x14: {  	_ =	swait.ge [sflag:s11], $0x400  }
0x15: {  	[sflag:s11] =	ssyncset.done $0x0  }
0x16: {  	[sflag:s11] =	ssyncadd.s32 $0xFFFFFC00  }
0x17: {  	[tilespmem:s12], [sflag:$0x5] =	stream.linear.gather [hbm4b:s6+s2], $0x2000, $0x38;
	[tilespmem:$0x4400] =	vst v63  }
0x18: {  	_ =	swait.ge [sflag:s11], $0x2000  }
0x19: {  	[sflag:s11] =	ssyncset.done $0x0  }
0x1a: {  	[sflag:s11] =	ssyncadd.s32 $0xFFFFE000  }
0x1b: {  	_ =	swait.ge [sflag:s13], $0x1000  }
0x1c: {  	[sflag:s13] =	ssyncset.done $0x0  }
0x1d: {  	[sflag:s13] =	ssyncadd.s32 $0xFFFFF000  }
0x1e: {  	_ =	swait.ge [sflag:s14], $0x1000  }
0x1f: {  	s20 =	simm.s32 $0x2500;
	s21 =	smov.u32 s8;
	[sflag:s14] =	ssyncset.done $0x0  }
0x20: {  	s22 =	simm.s32 $0x0;
	s23 =	simm.s32 $0x0;
	[sflag:s14] =	ssyncadd.s32 $0xFFFFF000  }
.LBB2_2:
0x21: {  	p0 =	seq.s32 s23, $0x0  }
0x22: {  	s24 =	simm.s32 @!p0 $0x1  }
0x23: {  	_ =	swait.ge @!p0 [sflag:s24], $0x1000  }
0x24: {  	[sflag:s24] =	ssyncset.done @!p0 $0x0  }
0x25: {  	[sflag:s24] =	ssyncadd.s32 @!p0 $0xFFFFF000;
	s24 =	sshra.s32 @!p0 s23, $0x2  }
0x26: {  	v0 =	vld @!p0 [tilespmem:s24+$0x1FC0];
	_ =	sdelay $0x4  }
0x27: {  	v1 =	vshll.u32 @!p0 v0, $0x1  }
0x28: {  	v0 =	vand.u32 @!p0 $0x7F, v0;
	v1 =	vand.u32 @!p0 $0xFFFFFF00, v1  }
0x29: {  	v0 =	vor.u32 @!p0 v0, v1;
	_ =	sdelay $0x3  }
0x2a: {  	s25 =	simm.s32 @!p0 $0x0;
	v1 =	vimm.f32 @!p0 $0.0e+00  }
0x2b: {  	[tilespmem:v0+s25+$0x0] =	vst.idx.msk @!p0 $0xffff, v1  }
0x2c: {  	v0 =	vld @!p0 [tilespmem:s24+$0x1FD0];
	_ =	sdelay $0x4  }
0x2d: {  	v2 =	vshll.u32 @!p0 v0, $0x1  }
0x2e: {  	v0 =	vand.u32 @!p0 $0x7F, v0;
	v2 =	vand.u32 @!p0 $0xFFFFFF00, v2  }
0x2f: {  	v0 =	vor.u32 @!p0 v2, v0  }
0x30: {  	v0 =	vor.u32 @!p0 $0x80, v0;
	_ =	sdelay $0x2  }
0x31: {  	s24 =	smov.u32 s23  }
0x32: {  	s24 =	simm.s32 @p0 $0x0  }
0x33: {  	s24 =	sshra.s32 s24, $0x2;
	[tilespmem:v0+s25+$0x0] =	vst.idx.msk @!p0 $0xffff, v1  }
0x34: {  	v0 =	vld [tilespmem:s24+$0x2000];
	_ =	sdelay $0x4  }
0x35: {  	v57 =	vshll.u32 v0, $0x1  }
0x36: {  	v0 =	vand.u32 $0x7F, v0;
	v2 =	vand.u32 $0xFFFFFF00, v57  }
0x37: {  	v3 =	vld [tilespmem:s20+$0xFFFFFF00];
	v0 =	vor.u32 v0, v2;
	_ =	sdelay $0x4  }
0x38: {  	s29 =	sshra.s32 s23, $0x2;
	[tilespmem:v0+s2+$0x0] =	vst.idx.add.f32.msk $0xffff, v3  }
0x39: {  	v0 =	vld [tilespmem:s29+$0x2010];
	_ =	sdelay $0x4  }
0x3a: {  	v58 =	vshll.u32 v0, $0x1  }
0x3b: {  	v0 =	vand.u32 $0x7F, v0;
	v2 =	vand.u32 $0xFFFFFF00, v58  }
0x3c: {  	v0 =	vor.u32 v2, v0  }
0x3d: {  	v59 =	vld [tilespmem:s20+$0xFFFFFF80];
	v0 =	vor.u32 $0x80, v0;
	_ =	sdelay $0x2  }
0x3e: {  	s26 =	sand.u32 $0x40, s22  }
0x3f: {  	s28 =	sand.u32 $0xFFFF800, s21;
	s26 =	sadd.s32 s4, s26  }
0x40: {  	s26 =	sadd.s32 s28, s26;
	[tilespmem:v0+s2+$0x0] =	vst.idx.add.f32.msk $0xffff, v59  }
0x41: {  	[hbm4b:s26+s15] =	stream.strided.scatter [tilespmem:s2], [sflag:$0x1], $0x1000, s16, s15, $0x38;
	[tilespmem:$0x4400] =	vst v63  }
0x42: {  	s26 =	simm.s32 @!p0 $0x2  }
0x43: {  	_ =	swait.ge @!p0 [sflag:s26], $0x1000  }
0x44: {  	[sflag:s26] =	ssyncset.done @!p0 $0x0  }
0x45: {  	[sflag:s26] =	ssyncadd.s32 @!p0 $0xFFFFF000  }
0x46: {  	v0 =	vld @!p0 [tilespmem:s24+$0x1FE0];
	_ =	sdelay $0x4  }
0x47: {  	v2 =	vshll.u32 @!p0 v0, $0x1  }
0x48: {  	v0 =	vand.u32 @!p0 $0x7F, v0;
	v2 =	vand.u32 @!p0 $0xFFFFFF00, v2  }
0x49: {  	v0 =	vor.u32 @!p0 v0, v2;
	_ =	sdelay $0x3  }
0x4a: {  	s26 =	simm.s32 @!p0 $0x1000  }
0x4b: {  	[tilespmem:v0+s26+$0x0] =	vst.idx.msk @!p0 $0xffff, v1  }
0x4c: {  	v0 =	vld @!p0 [tilespmem:s24+$0x1FF0];
	_ =	sdelay $0x4  }
0x4d: {  	v2 =	vshll.u32 @!p0 v0, $0x1  }
0x4e: {  	v0 =	vand.u32 @!p0 $0x7F, v0;
	v2 =	vand.u32 @!p0 $0xFFFFFF00, v2  }
0x4f: {  	v0 =	vor.u32 @!p0 v2, v0  }
0x50: {  	v0 =	vor.u32 @!p0 $0x80, v0;
	_ =	sdelay $0x4  }
0x51: {  	[tilespmem:v0+s26+$0x0] =	vst.idx.msk @!p0 $0xffff, v1  }
0x52: {  	v0 =	vld [tilespmem:s29+$0x2020];
	_ =	sdelay $0x4  }
0x53: {  	v60 =	vshll.u32 v0, $0x1  }
0x54: {  	v0 =	vand.u32 $0x7F, v0;
	v1 =	vand.u32 $0xFFFFFF00, v60  }
0x55: {  	v61 =	vld [tilespmem:s20+$0x0];
	v0 =	vor.u32 v0, v1;
	_ =	sdelay $0x4  }
0x56: {  	[tilespmem:v0+s9+$0x0] =	vst.idx.add.f32.msk $0xffff, v61  }
0x57: {  	v0 =	vld [tilespmem:s29+$0x2030];
	_ =	sdelay $0x4  }
0x58: {  	v62 =	vshll.u32 v0, $0x1  }
0x59: {  	v0 =	vand.u32 $0x7F, v0;
	v1 =	vand.u32 $0xFFFFFF00, v62  }
0x5a: {  	v0 =	vor.u32 v1, v0  }
0x5b: {  	s23 =	sadd.s32 $0x100, s23;
	v63 =	vld [tilespmem:s20+$0x80];
	v0 =	vor.u32 $0x80, v0  }
0x5c: {  	p0 =	sne.s32 s23, $0x1000  }
.Ltmp0:
0x5d: {  	s30 =	sadd.s32 $0x20, s22;
	(pc) =	sbr.rel @p0 .LBB2_2-.Ltmp0, $4  }
0x5e: {  	s31 =	sadd.s32 $0x200, s21;
	s24 =	sand.u32 $0x60, s30  }
0x5f: {  	s22 =	sadd.s32 $0x40, s22;
	s25 =	sand.u32 $0xFFFF800, s31;
	s24 =	sadd.s32 s4, s24  }
0x60: {  	s21 =	sadd.s32 $0x400, s21;
	s24 =	sadd.s32 s25, s24;
	s20 =	sadd.s32 $0x200, s20;
	[tilespmem:v0+s9+$0x0] =	vst.idx.add.f32.msk $0xffff, v63  }
0x61: {  	[hbm4b:s24+s15] =	stream.strided.scatter [tilespmem:s9], [sflag:$0x2], $0x1000, s16, s15, $0x38;
	[tilespmem:$0x4400] =	vst v63  }
0x62: {  	s19 =	sadd.s32 $0x1, s19  }
0x63: {  	_ =	swait.ge [sflag:s17], $0x1000;
	p0 =	sne.s32 s19, s7  }
.Ltmp1:
0x64: {  	[sflag:s17] =	ssyncset.done $0x0;
	(pc) =	sbr.rel @p0 .LBB2_1-.Ltmp1, $4  }
0x65: {  	[sflag:s17] =	ssyncadd.s32 $0xFFFFF000  }
0x66: {  	_ =	swait.ge [sflag:s18], $0x1000  }
0x67: {  	[sflag:s18] =	ssyncset.done $0x0  }
0x68: {  	[sflag:s18] =	ssyncadd.s32 $0xFFFFF000  }
0x69: {  	_ =	sfence.sel $0x180000  }
0x6a: {  	[bflag:$0x0] =	sbarrier.arrive $0xFFFF  }
0x6b: {  	p0 =	sne.s32 s1, $0x0;
	_ =	strace $0x90000047  }
0x6c: {  	s0 =	sadd.s32 @!p0 $0x100000, s0;
	[bflag:$0x2] =	sbarrier.arrive $0xFFFF  }
0x6d: {  	[sflag:s0] =	ssyncadd.tile.s32 @!p0 $0x1;
	_ =	shalt  }
.Lfunc_end2:
_tile_overlayer_lowered:
.L_overlay_start_2:
0x6e: {  	(tag) =	ssettag $0x2  }
0x6f: {  	s0 =	rddreg [dreg:$0x0];
	s2 =	stileid.u32  }
0x70: {  	s1 =	rddreg [dreg:$0x1];
	p0 =	sne.s32 s2, $0x0  }
0x71: {  	s3 =	rddreg [dreg:$0x2];
	[bflag:$0x3] =	sbarrier.arrive $0xFFFF;
	s2 =	simm.s32 @!p0 $0x1C05  }
0x72: {  	[timem:s3], [sflag:s2] =	dma.local @!p0 [hbm:s0], s1  }
0x73: {  	s0 =	simm.s32 @!p0 $0x5  }
0x74: {  	_ =	swait.ge @!p0 [sflag:s0], s1  }
0x75: {  	s1 =	ssub.s32 @!p0 $0x0, s1;
	[sflag:s0] =	ssyncset.done @!p0 $0x0  }
0x76: {  	[sflag:s0] =	ssyncadd.s32 @!p0 s1  }
0x77: {  	[bflag:$0x3] =	sbarrier.arrive $0xFFFF  }
0x78: {  	_ =	shalt  }

</sc_bundles>
